<compile_context>
chip_gen: v7x
topology: tpu7x:2x2x1
jax: 0.10.2.dev20260603
libtpu: 0.0.44.dev20260713+nightly
codegen_flags: <defaults>
</compile_context>

<pallas_src>
import math

import jax
import jax.numpy as jnp
from jax import lax
from jax.experimental import pallas as pl
from jax.experimental.pallas import tpu as pltpu
from jax.experimental.pallas import tpu_sc as plsc

B = 4
S = 4096
D = 2048
K = 512

SBLK = 512
NCHUNK = S // SBLK
SC_CORES = 2
SC_SUBCORES = 16
NW = SC_CORES * SC_SUBCORES
ROWS_PER_W = (B * K) // NW
GCHUNK = 16


def _skey(s):
    b32 = lax.bitcast_convert_type(s + 0.0, jnp.int32)
    return b32 ^ (jnp.right_shift(b32, 31) & jnp.int32(0x7FFFFFFF))


def _rank_body(row_ref, col_ref, o_ref):
    krow = _skey(row_ref[0])
    irow = lax.broadcasted_iota(jnp.int32, (1, S), 1)
    r_col = lax.broadcasted_iota(jnp.int32, (K, 1), 0)

    def count_step(ci, acc):
        kc = _skey(col_ref[0, pl.ds(ci * SBLK, SBLK), :])
        beats = (kc > krow).astype(jnp.int32)
        return acc + jnp.sum(beats, axis=0, keepdims=True)

    cnt_gt = lax.fori_loop(0, NCHUNK, count_step,
                           jnp.zeros((1, S), jnp.int32))

    def invert(rank):
        hit = rank == r_col
        return jnp.sum(jnp.where(hit, irow, 0), axis=1, keepdims=True)

    def fast(_):
        return invert(cnt_gt)

    def slow(_):
        def tie_step(ci, acc):
            kc = _skey(col_ref[0, pl.ds(ci * SBLK, SBLK), :])
            jc = lax.broadcasted_iota(jnp.int32, (SBLK, 1), 0) + ci * SBLK
            tie = ((kc == krow) & (jc < irow)).astype(jnp.int32)
            return acc + jnp.sum(tie, axis=0, keepdims=True)

        rank = lax.fori_loop(0, NCHUNK, tie_step, cnt_gt)
        return invert(rank)

    no_ties = jnp.sum(cnt_gt) == jnp.int32(S * (S - 1) // 2)
    acc = lax.cond(no_ties, fast, slow, 0)
    o_ref[0] = acc + pl.program_id(0) * S


def _gather_body(table_ref, idx_ref, out_ref, idx_v, rows_v0, rows_v1, sem0, sem1):
    wid = lax.axis_index("s") * SC_CORES + lax.axis_index("c")
    base = wid * ROWS_PER_W
    pltpu.sync_copy(idx_ref.at[pl.ds(base, ROWS_PER_W)], idx_v)
    bufs = (rows_v0, rows_v1)
    sems = (sem0, sem1)
    nch = ROWS_PER_W // GCHUNK
    cps = [None] * nch

    def fire(ch):
        idx_c = idx_v.at[pl.ds(ch * GCHUNK, GCHUNK)]
        cps[ch] = pltpu.async_copy(table_ref.at[idx_c], bufs[ch % 2], sems[ch % 2])

    fire(0)
    for ch in range(nch):
        if ch + 1 < nch:
            fire(ch + 1)
        cps[ch].wait()
        pltpu.sync_copy(bufs[ch % 2], out_ref.at[pl.ds(base + ch * GCHUNK, GCHUNK)])


_rank_call = pl.pallas_call(
    _rank_body,
    grid=(B,),
    in_specs=[
        pl.BlockSpec((1, 1, S), lambda b: (b, 0, 0)),
        pl.BlockSpec((1, S, 1), lambda b: (b, 0, 0)),
    ],
    out_specs=pl.BlockSpec((1, K, 1), lambda b: (b, 0, 0)),
    out_shape=jax.ShapeDtypeStruct((B, K, 1), jnp.int32),
)


def _gather_call():
    return pl.kernel(
        _gather_body,
        out_type=jax.ShapeDtypeStruct((B * K, D), jnp.float32),
        mesh=plsc.VectorSubcoreMesh(
            core_axis_name="c", subcore_axis_name="s",
            num_cores=SC_CORES, num_subcores=SC_SUBCORES,
        ),
        scratch_types=[
            pltpu.VMEM((ROWS_PER_W,), jnp.int32),
            pltpu.VMEM((GCHUNK, D), jnp.float32),
            pltpu.VMEM((GCHUNK, D), jnp.float32),
            pltpu.SemaphoreType.DMA,
            pltpu.SemaphoreType.DMA,
        ],
    )


def kernel(x, gamma, beta, W, b):
    mean = jnp.mean(x, axis=-1, keepdims=True)
    var = jnp.var(x, axis=-1, keepdims=True)
    xn = (x - mean) / jnp.sqrt(var + 1e-5) * gamma + beta
    scores = ((jnp.einsum('bsd,do->bso', xn, W) + b) / math.sqrt(2))[..., 0]
    idx = _rank_call(scores.reshape(B, 1, S), scores.reshape(B, S, 1))
    rows = _gather_call()(x.reshape(B * S, D), idx.reshape(B * K))
    return rows.reshape(B, K, D)

# --- scband reference (transcript-rebuilt; emitter-appended) ---
"""Pipeline reference for scband-sam-40973988004698 (READ-ONLY COPY).

The authoritative reference and input builder live on the scoring server;
editing this copy changes nothing except your own understanding.
"""

import jax, jax.numpy as jnp
import numpy as np
import math

D_MODEL = 2048
K = 512  # n_sampled_points_ub

def layer_norm(x, gamma, beta, eps=1e-5):
    mean = jnp.mean(x, axis=-1, keepdims=True)
    var = jnp.var(x, axis=-1, keepdims=True)
    return (x - mean) / jnp.sqrt(var + eps) * gamma + beta

def setup_inputs(seed: int = 0) -> dict:
    key = jax.random.key(seed)
    k1, k2 = jax.random.split(key)
    x = jax.random.normal(k1, (4, 4096, D_MODEL), dtype=jnp.float32)
    gamma = jnp.ones((D_MODEL,), dtype=jnp.float32)
    beta = jnp.zeros((D_MODEL,), dtype=jnp.float32)
    W = jax.random.normal(k2, (D_MODEL, 1), dtype=jnp.float32) * 0.02
    b = jnp.zeros((1,), dtype=jnp.float32)
    return {"x": x, "gamma": gamma, "beta": beta, "W": W, "b": b}

def reference(x, gamma, beta, W, b):
    # eval-mode path of SAM_.forward (sample_test):
    # x_fwd = Linear(LayerNorm(x)) / sqrt(2); sort scores descending along seq;
    # gather x by sorted indices; return top-K points.
    xn = layer_norm(x, gamma, beta)
    x_fwd = (jnp.einsum('bsd,do->bso', xn, W) + b) / math.sqrt(2)  # [B, S, 1]
    scores = x_fwd[..., 0]                                        # [B, S]
    indices = jnp.argsort(-scores, axis=1)                        # descending sort indices
    x_sorted = jnp.take_along_axis(x, indices[:, :, None], axis=1)  # batched_index_select
    x_top = x_sorted[:, :K, :]
    return x_top

if __name__ == "__main__":
    import jax
    _d = setup_inputs()
    print(jax.jit(kernel)(*tuple(_d.values())))

</pallas_src>

<mosaic_0001>
#map = affine_map<(d0, d1) -> (0, 0)>
#map1 = affine_map<(d0, d1) -> (0)>
module attributes {stable_mosaic.version = 14 : i64} {
  func.func @_gather_body(%arg0: i32, %arg1: i32, %arg2: memref<16384x2048xf32, #tpu.memory_space<hbm>>, %arg3: memref<2048xi32, #tpu.memory_space<hbm>>, %arg4: memref<2048x2048xf32, #tpu.memory_space<hbm>>, %arg5: memref<64xi32, #tpu.memory_space<vmem>>, %arg6: memref<16x2048xf32, #tpu.memory_space<vmem>>, %arg7: memref<16x2048xf32, #tpu.memory_space<vmem>>, %arg8: memref<!tpu.dma_semaphore, #tpu.memory_space<semaphore_mem>>, %arg9: memref<!tpu.dma_semaphore, #tpu.memory_space<semaphore_mem>>) attributes {dimension_semantics = [#tpu.dimension_semantics<core_parallel>, #tpu.dimension_semantics<subcore_parallel>], iteration_bounds = array<i64: 2, 16>, scalar_prefetch = 0 : i64, scratch_operands = 5 : i64, tpu.core_type = #tpu.core_type<sc_vector_subcore>, window_params = [{transform_indices = #map}, {transform_indices = #map1}, {transform_indices = #map}]} {
    %mul3A = arith.constant 2 : i32
    %mul3A_0 = arith.muli %arg1, %mul3A : i32
    %add3A = arith.addi %mul3A_0, %arg0 : i32
    %mul3A_1 = arith.constant 64 : i32
    %mul3A_2 = arith.muli %add3A, %mul3A_1 : i32
    "tpu.region"() ({
      %run_scoped3A = tpu.sem_alloc : memref<!tpu.dma_semaphore, #tpu.memory_space<semaphore_mem>>
      %dma_start3A_49 = tpu.memref_slice %arg3[%mul3A_2] : memref<2048xi32, #tpu.memory_space<hbm>> -> memref<64xi32, #tpu.memory_space<hbm>>
      %dma_start3A_50 = tpu.memref_slice %arg3[%mul3A_2] : memref<2048xi32, #tpu.memory_space<hbm>> -> memref<64xi32, #tpu.memory_space<hbm>>
      tpu.enqueue_dma source(%dma_start3A_50 : memref<64xi32, #tpu.memory_space<hbm>>) target(%arg5 : memref<64xi32, #tpu.memory_space<vmem>>) target_semaphore(%run_scoped3A : memref<!tpu.dma_semaphore, #tpu.memory_space<semaphore_mem>>)
      %dma_wait3A_51 = tpu.memref_slice %arg3[%mul3A_2] : memref<2048xi32, #tpu.memory_space<hbm>> -> memref<64xi32, #tpu.memory_space<hbm>>
      %dma_wait3A_52 = tpu.memref_slice %arg3[%mul3A_2] : memref<2048xi32, #tpu.memory_space<hbm>> -> memref<64xi32, #tpu.memory_space<hbm>>
      tpu.wait_dma2 semaphore(%run_scoped3A : memref<!tpu.dma_semaphore, #tpu.memory_space<semaphore_mem>>) src(%dma_wait3A_52 : memref<64xi32, #tpu.memory_space<hbm>>) dst(%arg5 : memref<64xi32, #tpu.memory_space<vmem>>)
      tpu.yield
    }) : () -> ()
    %dma_start3A = arith.constant 0 : i32
    %dma_start3A_3 = tpu.memref_slice %arg5[%dma_start3A] : memref<64xi32, #tpu.memory_space<vmem>> -> memref<16xi32, #tpu.memory_space<vmem>>
    %dma_start3A_4 = arith.constant 0 : i32
    %dma_start3A_5 = arith.constant 0 : i32
    %dma_start3A_6 = tpu.memref_slice %arg2[%dma_start3A_4, %dma_start3A_5] : memref<16384x2048xf32, #tpu.memory_space<hbm>> -> memref<16384x2048xf32, #tpu.memory_space<hbm>>
    tpu.enqueue_indirect_dma source(%dma_start3A_6 : memref<16384x2048xf32, #tpu.memory_space<hbm>>) target(%arg6 : memref<16x2048xf32, #tpu.memory_space<vmem>>) offsets(%dma_start3A_3 : memref<16xi32, #tpu.memory_space<vmem>>) semaphore(%arg8 : memref<!tpu.dma_semaphore, #tpu.memory_space<semaphore_mem>>)
    %dma_start3A_7 = arith.constant 16 : i32
    %dma_start3A_8 = tpu.memref_slice %arg5[%dma_start3A_7] : memref<64xi32, #tpu.memory_space<vmem>> -> memref<16xi32, #tpu.memory_space<vmem>>
    %dma_start3A_9 = arith.constant 0 : i32
    %dma_start3A_10 = arith.constant 0 : i32
    %dma_start3A_11 = tpu.memref_slice %arg2[%dma_start3A_9, %dma_start3A_10] : memref<16384x2048xf32, #tpu.memory_space<hbm>> -> memref<16384x2048xf32, #tpu.memory_space<hbm>>
    tpu.enqueue_indirect_dma source(%dma_start3A_11 : memref<16384x2048xf32, #tpu.memory_space<hbm>>) target(%arg7 : memref<16x2048xf32, #tpu.memory_space<vmem>>) offsets(%dma_start3A_8 : memref<16xi32, #tpu.memory_space<vmem>>) semaphore(%arg9 : memref<!tpu.dma_semaphore, #tpu.memory_space<semaphore_mem>>)
    %dma_wait3A = arith.constant 0 : i32
    %dma_wait3A_12 = tpu.memref_slice %arg5[%dma_wait3A] : memref<64xi32, #tpu.memory_space<vmem>> -> memref<16xi32, #tpu.memory_space<vmem>>
    %dma_wait3A_13 = arith.constant 0 : i32
    %dma_wait3A_14 = arith.constant 0 : i32
    %dma_wait3A_15 = tpu.memref_slice %arg2[%dma_wait3A_13, %dma_wait3A_14] : memref<16384x2048xf32, #tpu.memory_space<hbm>> -> memref<16384x2048xf32, #tpu.memory_space<hbm>>
    tpu.wait_indirect_dma semaphore(%arg8 : memref<!tpu.dma_semaphore, #tpu.memory_space<semaphore_mem>>) src(%dma_wait3A_15 : memref<16384x2048xf32, #tpu.memory_space<hbm>>) dst(%arg6 : memref<16x2048xf32, #tpu.memory_space<vmem>>)
    %add3A_16 = arith.constant 0 : i32
    %add3A_17 = arith.addi %mul3A_2, %add3A_16 : i32
    "tpu.region"() ({
      %run_scoped3A = tpu.sem_alloc : memref<!tpu.dma_semaphore, #tpu.memory_space<semaphore_mem>>
      %dma_start3A_49 = arith.constant 0 : i32
      %dma_start3A_50 = tpu.memref_slice %arg4[%add3A_17, %dma_start3A_49] : memref<2048x2048xf32, #tpu.memory_space<hbm>> -> memref<16x2048xf32, #tpu.memory_space<hbm>>
      %dma_start3A_51 = arith.constant 0 : i32
      %dma_start3A_52 = tpu.memref_slice %arg4[%add3A_17, %dma_start3A_51] : memref<2048x2048xf32, #tpu.memory_space<hbm>> -> memref<16x2048xf32, #tpu.memory_space<hbm>>
      tpu.enqueue_dma source(%arg6 : memref<16x2048xf32, #tpu.memory_space<vmem>>) target(%dma_start3A_52 : memref<16x2048xf32, #tpu.memory_space<hbm>>) target_semaphore(%run_scoped3A : memref<!tpu.dma_semaphore, #tpu.memory_space<semaphore_mem>>)
      %dma_wait3A_53 = arith.constant 0 : i32
      %dma_wait3A_54 = tpu.memref_slice %arg4[%add3A_17, %dma_wait3A_53] : memref<2048x2048xf32, #tpu.memory_space<hbm>> -> memref<16x2048xf32, #tpu.memory_space<hbm>>
      %dma_wait3A_55 = arith.constant 0 : i32
      %dma_wait3A_56 = tpu.memref_slice %arg4[%add3A_17, %dma_wait3A_55] : memref<2048x2048xf32, #tpu.memory_space<hbm>> -> memref<16x2048xf32, #tpu.memory_space<hbm>>
      tpu.wait_dma2 semaphore(%run_scoped3A : memref<!tpu.dma_semaphore, #tpu.memory_space<semaphore_mem>>) src(%arg6 : memref<16x2048xf32, #tpu.memory_space<vmem>>) dst(%dma_wait3A_56 : memref<16x2048xf32, #tpu.memory_space<hbm>>)
      tpu.yield
    }) : () -> ()
    %dma_start3A_18 = arith.constant 32 : i32
    %dma_start3A_19 = tpu.memref_slice %arg5[%dma_start3A_18] : memref<64xi32, #tpu.memory_space<vmem>> -> memref<16xi32, #tpu.memory_space<vmem>>
    %dma_start3A_20 = arith.constant 0 : i32
    %dma_start3A_21 = arith.constant 0 : i32
    %dma_start3A_22 = tpu.memref_slice %arg2[%dma_start3A_20, %dma_start3A_21] : memref<16384x2048xf32, #tpu.memory_space<hbm>> -> memref<16384x2048xf32, #tpu.memory_space<hbm>>
    tpu.enqueue_indirect_dma source(%dma_start3A_22 : memref<16384x2048xf32, #tpu.memory_space<hbm>>) target(%arg6 : memref<16x2048xf32, #tpu.memory_space<vmem>>) offsets(%dma_start3A_19 : memref<16xi32, #tpu.memory_space<vmem>>) semaphore(%arg8 : memref<!tpu.dma_semaphore, #tpu.memory_space<semaphore_mem>>)
    %dma_wait3A_23 = arith.constant 16 : i32
    %dma_wait3A_24 = tpu.memref_slice %arg5[%dma_wait3A_23] : memref<64xi32, #tpu.memory_space<vmem>> -> memref<16xi32, #tpu.memory_space<vmem>>
    %dma_wait3A_25 = arith.constant 0 : i32
    %dma_wait3A_26 = arith.constant 0 : i32
    %dma_wait3A_27 = tpu.memref_slice %arg2[%dma_wait3A_25, %dma_wait3A_26] : memref<16384x2048xf32, #tpu.memory_space<hbm>> -> memref<16384x2048xf32, #tpu.memory_space<hbm>>
    tpu.wait_indirect_dma semaphore(%arg9 : memref<!tpu.dma_semaphore, #tpu.memory_space<semaphore_mem>>) src(%dma_wait3A_27 : memref<16384x2048xf32, #tpu.memory_space<hbm>>) dst(%arg7 : memref<16x2048xf32, #tpu.memory_space<vmem>>)
    %add3A_28 = arith.constant 16 : i32
    %add3A_29 = arith.addi %mul3A_2, %add3A_28 : i32
    "tpu.region"() ({
      %run_scoped3A = tpu.sem_alloc : memref<!tpu.dma_semaphore, #tpu.memory_space<semaphore_mem>>
      %dma_start3A_49 = arith.constant 0 : i32
      %dma_start3A_50 = tpu.memref_slice %arg4[%add3A_29, %dma_start3A_49] : memref<2048x2048xf32, #tpu.memory_space<hbm>> -> memref<16x2048xf32, #tpu.memory_space<hbm>>
      %dma_start3A_51 = arith.constant 0 : i32
      %dma_start3A_52 = tpu.memref_slice %arg4[%add3A_29, %dma_start3A_51] : memref<2048x2048xf32, #tpu.memory_space<hbm>> -> memref<16x2048xf32, #tpu.memory_space<hbm>>
      tpu.enqueue_dma source(%arg7 : memref<16x2048xf32, #tpu.memory_space<vmem>>) target(%dma_start3A_52 : memref<16x2048xf32, #tpu.memory_space<hbm>>) target_semaphore(%run_scoped3A : memref<!tpu.dma_semaphore, #tpu.memory_space<semaphore_mem>>)
      %dma_wait3A_53 = arith.constant 0 : i32
      %dma_wait3A_54 = tpu.memref_slice %arg4[%add3A_29, %dma_wait3A_53] : memref<2048x2048xf32, #tpu.memory_space<hbm>> -> memref<16x2048xf32, #tpu.memory_space<hbm>>
      %dma_wait3A_55 = arith.constant 0 : i32
      %dma_wait3A_56 = tpu.memref_slice %arg4[%add3A_29, %dma_wait3A_55] : memref<2048x2048xf32, #tpu.memory_space<hbm>> -> memref<16x2048xf32, #tpu.memory_space<hbm>>
      tpu.wait_dma2 semaphore(%run_scoped3A : memref<!tpu.dma_semaphore, #tpu.memory_space<semaphore_mem>>) src(%arg7 : memref<16x2048xf32, #tpu.memory_space<vmem>>) dst(%dma_wait3A_56 : memref<16x2048xf32, #tpu.memory_space<hbm>>)
      tpu.yield
    }) : () -> ()
    %dma_start3A_30 = arith.constant 48 : i32
    %dma_start3A_31 = tpu.memref_slice %arg5[%dma_start3A_30] : memref<64xi32, #tpu.memory_space<vmem>> -> memref<16xi32, #tpu.memory_space<vmem>>
    %dma_start3A_32 = arith.constant 0 : i32
    %dma_start3A_33 = arith.constant 0 : i32
    %dma_start3A_34 = tpu.memref_slice %arg2[%dma_start3A_32, %dma_start3A_33] : memref<16384x2048xf32, #tpu.memory_space<hbm>> -> memref<16384x2048xf32, #tpu.memory_space<hbm>>
    tpu.enqueue_indirect_dma source(%dma_start3A_34 : memref<16384x2048xf32, #tpu.memory_space<hbm>>) target(%arg7 : memref<16x2048xf32, #tpu.memory_space<vmem>>) offsets(%dma_start3A_31 : memref<16xi32, #tpu.memory_space<vmem>>) semaphore(%arg9 : memref<!tpu.dma_semaphore, #tpu.memory_space<semaphore_mem>>)
    %dma_wait3A_35 = arith.constant 32 : i32
    %dma_wait3A_36 = tpu.memref_slice %arg5[%dma_wait3A_35] : memref<64xi32, #tpu.memory_space<vmem>> -> memref<16xi32, #tpu.memory_space<vmem>>
    %dma_wait3A_37 = arith.constant 0 : i32
    %dma_wait3A_38 = arith.constant 0 : i32
    %dma_wait3A_39 = tpu.memref_slice %arg2[%dma_wait3A_37, %dma_wait3A_38] : memref<16384x2048xf32, #tpu.memory_space<hbm>> -> memref<16384x2048xf32, #tpu.memory_space<hbm>>
    tpu.wait_indirect_dma semaphore(%arg8 : memref<!tpu.dma_semaphore, #tpu.memory_space<semaphore_mem>>) src(%dma_wait3A_39 : memref<16384x2048xf32, #tpu.memory_space<hbm>>) dst(%arg6 : memref<16x2048xf32, #tpu.memory_space<vmem>>)
    %add3A_40 = arith.constant 32 : i32
    %add3A_41 = arith.addi %mul3A_2, %add3A_40 : i32
    "tpu.region"() ({
      %run_scoped3A = tpu.sem_alloc : memref<!tpu.dma_semaphore, #tpu.memory_space<semaphore_mem>>
      %dma_start3A_49 = arith.constant 0 : i32
      %dma_start3A_50 = tpu.memref_slice %arg4[%add3A_41, %dma_start3A_49] : memref<2048x2048xf32, #tpu.memory_space<hbm>> -> memref<16x2048xf32, #tpu.memory_space<hbm>>
      %dma_start3A_51 = arith.constant 0 : i32
      %dma_start3A_52 = tpu.memref_slice %arg4[%add3A_41, %dma_start3A_51] : memref<2048x2048xf32, #tpu.memory_space<hbm>> -> memref<16x2048xf32, #tpu.memory_space<hbm>>
      tpu.enqueue_dma source(%arg6 : memref<16x2048xf32, #tpu.memory_space<vmem>>) target(%dma_start3A_52 : memref<16x2048xf32, #tpu.memory_space<hbm>>) target_semaphore(%run_scoped3A : memref<!tpu.dma_semaphore, #tpu.memory_space<semaphore_mem>>)
      %dma_wait3A_53 = arith.constant 0 : i32
      %dma_wait3A_54 = tpu.memref_slice %arg4[%add3A_41, %dma_wait3A_53] : memref<2048x2048xf32, #tpu.memory_space<hbm>> -> memref<16x2048xf32, #tpu.memory_space<hbm>>
      %dma_wait3A_55 = arith.constant 0 : i32
      %dma_wait3A_56 = tpu.memref_slice %arg4[%add3A_41, %dma_wait3A_55] : memref<2048x2048xf32, #tpu.memory_space<hbm>> -> memref<16x2048xf32, #tpu.memory_space<hbm>>
      tpu.wait_dma2 semaphore(%run_scoped3A : memref<!tpu.dma_semaphore, #tpu.memory_space<semaphore_mem>>) src(%arg6 : memref<16x2048xf32, #tpu.memory_space<vmem>>) dst(%dma_wait3A_56 : memref<16x2048xf32, #tpu.memory_space<hbm>>)
      tpu.yield
    }) : () -> ()
    %dma_wait3A_42 = arith.constant 48 : i32
    %dma_wait3A_43 = tpu.memref_slice %arg5[%dma_wait3A_42] : memref<64xi32, #tpu.memory_space<vmem>> -> memref<16xi32, #tpu.memory_space<vmem>>
    %dma_wait3A_44 = arith.constant 0 : i32
    %dma_wait3A_45 = arith.constant 0 : i32
    %dma_wait3A_46 = tpu.memref_slice %arg2[%dma_wait3A_44, %dma_wait3A_45] : memref<16384x2048xf32, #tpu.memory_space<hbm>> -> memref<16384x2048xf32, #tpu.memory_space<hbm>>
    tpu.wait_indirect_dma semaphore(%arg9 : memref<!tpu.dma_semaphore, #tpu.memory_space<semaphore_mem>>) src(%dma_wait3A_46 : memref<16384x2048xf32, #tpu.memory_space<hbm>>) dst(%arg7 : memref<16x2048xf32, #tpu.memory_space<vmem>>)
    %add3A_47 = arith.constant 48 : i32
    %add3A_48 = arith.addi %mul3A_2, %add3A_47 : i32
    "tpu.region"() ({
      %run_scoped3A = tpu.sem_alloc : memref<!tpu.dma_semaphore, #tpu.memory_space<semaphore_mem>>
      %dma_start3A_49 = arith.constant 0 : i32
      %dma_start3A_50 = tpu.memref_slice %arg4[%add3A_48, %dma_start3A_49] : memref<2048x2048xf32, #tpu.memory_space<hbm>> -> memref<16x2048xf32, #tpu.memory_space<hbm>>
      %dma_start3A_51 = arith.constant 0 : i32
      %dma_start3A_52 = tpu.memref_slice %arg4[%add3A_48, %dma_start3A_51] : memref<2048x2048xf32, #tpu.memory_space<hbm>> -> memref<16x2048xf32, #tpu.memory_space<hbm>>
      tpu.enqueue_dma source(%arg7 : memref<16x2048xf32, #tpu.memory_space<vmem>>) target(%dma_start3A_52 : memref<16x2048xf32, #tpu.memory_space<hbm>>) target_semaphore(%run_scoped3A : memref<!tpu.dma_semaphore, #tpu.memory_space<semaphore_mem>>)
      %dma_wait3A_53 = arith.constant 0 : i32
      %dma_wait3A_54 = tpu.memref_slice %arg4[%add3A_48, %dma_wait3A_53] : memref<2048x2048xf32, #tpu.memory_space<hbm>> -> memref<16x2048xf32, #tpu.memory_space<hbm>>
      %dma_wait3A_55 = arith.constant 0 : i32
      %dma_wait3A_56 = tpu.memref_slice %arg4[%add3A_48, %dma_wait3A_55] : memref<2048x2048xf32, #tpu.memory_space<hbm>> -> memref<16x2048xf32, #tpu.memory_space<hbm>>
      tpu.wait_dma2 semaphore(%run_scoped3A : memref<!tpu.dma_semaphore, #tpu.memory_space<semaphore_mem>>) src(%arg7 : memref<16x2048xf32, #tpu.memory_space<vmem>>) dst(%dma_wait3A_56 : memref<16x2048xf32, #tpu.memory_space<hbm>>)
      tpu.yield
    }) : () -> ()
    return
  }
}

module attributes {stable_mosaic.version = 14 : i64} {
  func.func @_rank_body(%arg0: i32, %arg1: memref<1x1x4096xf32, #tpu.memory_space<vmem>>, %arg2: memref<1x4096x1xf32, #tpu.memory_space<vmem>>, %arg3: memref<1x512x1xi32, #tpu.memory_space<vmem>>) attributes {dimension_semantics = [#tpu.dimension_semantics<arbitrary>], iteration_bounds = array<i64: 4>, scalar_prefetch = 0 : i64, scratch_operands = 0 : i64, tpu.core_type = #tpu.core_type<tc>, window_params = [{transform_indices = @transform_0, window_bounds = array<i64: 1, 1, 4096>}, {transform_indices = @transform_1, window_bounds = array<i64: 1, 4096, 1>}, {transform_indices = @transform_2, window_bounds = array<i64: 1, 512, 1>}]} {
    %get3A = arith.constant 0 : index
    %get3A_0 = arith.constant 0 : index
    %get3A_1 = arith.constant 0 : index
    %get3A_2 = vector.load %arg1[%get3A, %get3A_0, %get3A_1] : memref<1x1x4096xf32, #tpu.memory_space<vmem>>, vector<1x1x4096xf32>
    %get3A_3 = vector.shape_cast %get3A_2 : vector<1x1x4096xf32> to vector<1x4096xf32>
    %add3A = arith.constant 0.000000e+00 : f32
    %add3A_4 = vector.broadcast %add3A : f32 to vector<1x4096xf32>
    %add3A_5 = arith.addf %get3A_3, %add3A_4 : vector<1x4096xf32>
    %bitcast_convert_type3A = tpu.bitcast %add3A_5 : vector<1x4096xf32> -> vector<1x4096xi32>
    %shift_right_arithmetic3A = arith.constant 31 : i32
    %shift_right_arithmetic3A_6 = vector.broadcast %shift_right_arithmetic3A : i32 to vector<1x4096xi32>
    %shift_right_arithmetic3A_7 = arith.shrsi %bitcast_convert_type3A, %shift_right_arithmetic3A_6 : vector<1x4096xi32>
    %and3A = arith.constant 2147483647 : i32
    %and3A_8 = vector.broadcast %and3A : i32 to vector<1x4096xi32>
    %and3A_9 = arith.andi %shift_right_arithmetic3A_7, %and3A_8 : vector<1x4096xi32>
    %xor3A = arith.xori %bitcast_convert_type3A, %and3A_9 : vector<1x4096xi32>
    %iota3A = tpu.iota {dimensions = array<i32: 1>} : vector<1x4096xi32>
    %iota3A_10 = tpu.iota {dimensions = array<i32: 0>} : vector<512x1xi32>
    %broadcast_in_dim3A = arith.constant 0 : i32
    %broadcast_in_dim3A_11 = vector.broadcast %broadcast_in_dim3A : i32 to vector<1x4096xi32>
    %scan3A = arith.constant 0 : i32
    %scan3A_12 = arith.constant 8 : i32
    %scan3A_13 = arith.addi %scan3A, %scan3A_12 : i32
    %scan3A_14 = arith.constant 1 : i32
    %scan3A_15 = scf.for %scan3A_32 = %scan3A to %scan3A_13 step %scan3A_14 iter_args(%scan3A_33 = %broadcast_in_dim3A_11) -> (vector<1x4096xi32>)  : i32 {
      %mul3A_34 = arith.constant 512 : i32
      %mul3A_35 = arith.muli %scan3A_32, %mul3A_34 : i32
      %get3A_36 = arith.constant 0 : index
      %get3A_37 = arith.index_cast %mul3A_35 : i32 to index
      %get3A_38 = arith.constant 0 : index
      %get3A_39 = vector.load %arg2[%get3A_36, %get3A_37, %get3A_38] : memref<1x4096x1xf32, #tpu.memory_space<vmem>>, vector<1x512x1xf32>
      %get3A_40 = vector.shape_cast %get3A_39 : vector<1x512x1xf32> to vector<512x1xf32>
      %add3A_41 = arith.constant 0.000000e+00 : f32
      %add3A_42 = vector.broadcast %add3A_41 : f32 to vector<512x1xf32>
      %add3A_43 = arith.addf %get3A_40, %add3A_42 : vector<512x1xf32>
      %bitcast_convert_type3A_44 = tpu.bitcast %add3A_43 : vector<512x1xf32> -> vector<512x1xi32>
      %shift_right_arithmetic3A_45 = arith.constant 31 : i32
      %shift_right_arithmetic3A_46 = vector.broadcast %shift_right_arithmetic3A_45 : i32 to vector<512x1xi32>
      %shift_right_arithmetic3A_47 = arith.shrsi %bitcast_convert_type3A_44, %shift_right_arithmetic3A_46 : vector<512x1xi32>
      %and3A_48 = arith.constant 2147483647 : i32
      %and3A_49 = vector.broadcast %and3A_48 : i32 to vector<512x1xi32>
      %and3A_50 = arith.andi %shift_right_arithmetic3A_47, %and3A_49 : vector<512x1xi32>
      %xor3A_51 = arith.xori %bitcast_convert_type3A_44, %and3A_50 : vector<512x1xi32>
      %gt3A = vector.broadcast %xor3A_51 : vector<512x1xi32> to vector<512x4096xi32>
      %gt3A_52 = vector.broadcast %xor3A : vector<1x4096xi32> to vector<512x4096xi32>
      %gt3A_53 = arith.cmpi sgt, %gt3A, %gt3A_52 : vector<512x4096xi32>
      %convert_element_type3A_54 = arith.extui %gt3A_53 : vector<512x4096xi1> to vector<512x4096xi32>
      %reduce_sum3A_55 = arith.constant dense<0> : vector<4096xi32>
      %reduce_sum3A_56 = vector.multi_reduction <add>, %convert_element_type3A_54, %reduce_sum3A_55 [0] : vector<512x4096xi32> to vector<4096xi32>
      %broadcast_in_dim3A_57 = vector.shape_cast %reduce_sum3A_56 : vector<4096xi32> to vector<1x4096xi32>
      %add3A_58 = arith.addi %scan3A_33, %broadcast_in_dim3A_57 : vector<1x4096xi32>
      scf.yield %add3A_58 : vector<1x4096xi32>
    }
    %scan3A_16 = arith.constant 8 : i32
    %reduce_sum3A = vector.shape_cast %scan3A_15 : vector<1x4096xi32> to vector<1x1x4096xi32>
    %reduce_sum3A_17 = arith.constant dense<0> : vector<1xi32>
    %reduce_sum3A_18 = vector.multi_reduction <add>, %reduce_sum3A, %reduce_sum3A_17 [1, 2] : vector<1x1x4096xi32> to vector<1xi32>
    %reduce_sum3A_19 = vector.shape_cast %reduce_sum3A_18 : vector<1xi32> to vector<1x1x1xi32>
    %reduce_sum3A_20 = vector.extract %reduce_sum3A_19[0, 0, 0] : i32 from vector<1x1x1xi32>
    %eq3A = arith.constant 8386560 : i32
    %eq3A_21 = arith.cmpi eq, %reduce_sum3A_20, %eq3A : i32
    %convert_element_type3A = arith.extui %eq3A_21 : i1 to i32
    %cond3A = arith.constant 0 : i32
    %cond3A_22 = arith.cmpi ne, %convert_element_type3A, %cond3A : i32
    %cond3A_23 = scf.if %cond3A_22 -> (vector<512x1xi32>) {
      %eq3A_32 = vector.broadcast %scan3A_15 : vector<1x4096xi32> to vector<512x4096xi32>
      %eq3A_33 = vector.broadcast %iota3A_10 : vector<512x1xi32> to vector<512x4096xi32>
      %eq3A_34 = arith.cmpi eq, %eq3A_32, %eq3A_33 : vector<512x4096xi32>
      %jit3A = arith.constant 0 : i32
      %broadcast_in_dim3A_35 = vector.shape_cast %iota3A : vector<1x4096xi32> to vector<1x4096xi32>
      %broadcast_in_dim3A_36 = vector.broadcast %broadcast_in_dim3A_35 : vector<1x4096xi32> to vector<512x4096xi32>
      %broadcast_in_dim3A_37 = vector.broadcast %jit3A : i32 to vector<512x4096xi32>
      %select_n3A = arith.select %eq3A_34, %broadcast_in_dim3A_36, %broadcast_in_dim3A_37 : vector<512x4096xi1>, vector<512x4096xi32>
      %reduce_sum3A_38 = arith.constant dense<0> : vector<512xi32>
      %reduce_sum3A_39 = vector.multi_reduction <add>, %select_n3A, %reduce_sum3A_38 [1] : vector<512x4096xi32> to vector<512xi32>
      %broadcast_in_dim3A_40 = vector.shape_cast %reduce_sum3A_39 : vector<512xi32> to vector<512x1xi32>
      scf.yield %broadcast_in_dim3A_40 : vector<512x1xi32>
    } else {
      %scan3A_32 = arith.constant 0 : i32
      %scan3A_33 = arith.constant 8 : i32
      %scan3A_34 = arith.addi %scan3A_32, %scan3A_33 : i32
      %scan3A_35 = arith.constant 1 : i32
      %scan3A_36 = scf.for %scan3A_47 = %scan3A_32 to %scan3A_34 step %scan3A_35 iter_args(%scan3A_48 = %scan3A_15) -> (vector<1x4096xi32>)  : i32 {
        %mul3A_49 = arith.constant 512 : i32
        %mul3A_50 = arith.muli %scan3A_47, %mul3A_49 : i32
        %get3A_51 = arith.constant 0 : index
        %get3A_52 = arith.index_cast %mul3A_50 : i32 to index
        %get3A_53 = arith.constant 0 : index
        %get3A_54 = vector.load %arg2[%get3A_51, %get3A_52, %get3A_53] : memref<1x4096x1xf32, #tpu.memory_space<vmem>>, vector<1x512x1xf32>
        %get3A_55 = vector.shape_cast %get3A_54 : vector<1x512x1xf32> to vector<512x1xf32>
        %add3A_56 = arith.constant 0.000000e+00 : f32
        %add3A_57 = vector.broadcast %add3A_56 : f32 to vector<512x1xf32>
        %add3A_58 = arith.addf %get3A_55, %add3A_57 : vector<512x1xf32>
        %bitcast_convert_type3A_59 = tpu.bitcast %add3A_58 : vector<512x1xf32> -> vector<512x1xi32>
        %shift_right_arithmetic3A_60 = arith.constant 31 : i32
        %shift_right_arithmetic3A_61 = vector.broadcast %shift_right_arithmetic3A_60 : i32 to vector<512x1xi32>
        %shift_right_arithmetic3A_62 = arith.shrsi %bitcast_convert_type3A_59, %shift_right_arithmetic3A_61 : vector<512x1xi32>
        %and3A_63 = arith.constant 2147483647 : i32
        %and3A_64 = vector.broadcast %and3A_63 : i32 to vector<512x1xi32>
        %and3A_65 = arith.andi %shift_right_arithmetic3A_62, %and3A_64 : vector<512x1xi32>
        %xor3A_66 = arith.xori %bitcast_convert_type3A_59, %and3A_65 : vector<512x1xi32>
        %iota3A_67 = tpu.iota {dimensions = array<i32: 0>} : vector<512x1xi32>
        %mul3A_68 = arith.constant 512 : i32
        %mul3A_69 = arith.muli %scan3A_47, %mul3A_68 : i32
        %add3A_70 = vector.broadcast %mul3A_69 : i32 to vector<512x1xi32>
        %add3A_71 = arith.addi %iota3A_67, %add3A_70 : vector<512x1xi32>
        %eq3A_72 = vector.broadcast %xor3A_66 : vector<512x1xi32> to vector<512x4096xi32>
        %eq3A_73 = vector.broadcast %xor3A : vector<1x4096xi32> to vector<512x4096xi32>
        %eq3A_74 = arith.cmpi eq, %eq3A_72, %eq3A_73 : vector<512x4096xi32>
        %lt3A = vector.broadcast %add3A_71 : vector<512x1xi32> to vector<512x4096xi32>
        %lt3A_75 = vector.broadcast %iota3A : vector<1x4096xi32> to vector<512x4096xi32>
        %lt3A_76 = arith.cmpi slt, %lt3A, %lt3A_75 : vector<512x4096xi32>
        %and3A_77 = arith.andi %eq3A_74, %lt3A_76 : vector<512x4096xi1>
        %convert_element_type3A_78 = arith.extui %and3A_77 : vector<512x4096xi1> to vector<512x4096xi32>
        %reduce_sum3A_79 = arith.constant dense<0> : vector<4096xi32>
        %reduce_sum3A_80 = vector.multi_reduction <add>, %convert_element_type3A_78, %reduce_sum3A_79 [0] : vector<512x4096xi32> to vector<4096xi32>
        %broadcast_in_dim3A_81 = vector.shape_cast %reduce_sum3A_80 : vector<4096xi32> to vector<1x4096xi32>
        %add3A_82 = arith.addi %scan3A_48, %broadcast_in_dim3A_81 : vector<1x4096xi32>
        scf.yield %add3A_82 : vector<1x4096xi32>
      }
      %scan3A_37 = arith.constant 8 : i32
      %eq3A_38 = vector.broadcast %scan3A_36 : vector<1x4096xi32> to vector<512x4096xi32>
      %eq3A_39 = vector.broadcast %iota3A_10 : vector<512x1xi32> to vector<512x4096xi32>
      %eq3A_40 = arith.cmpi eq, %eq3A_38, %eq3A_39 : vector<512x4096xi32>
      %jit3A = arith.constant 0 : i32
      %broadcast_in_dim3A_41 = vector.shape_cast %iota3A : vector<1x4096xi32> to vector<1x4096xi32>
      %broadcast_in_dim3A_42 = vector.broadcast %broadcast_in_dim3A_41 : vector<1x4096xi32> to vector<512x4096xi32>
      %broadcast_in_dim3A_43 = vector.broadcast %jit3A : i32 to vector<512x4096xi32>
      %select_n3A = arith.select %eq3A_40, %broadcast_in_dim3A_42, %broadcast_in_dim3A_43 : vector<512x4096xi1>, vector<512x4096xi32>
      %reduce_sum3A_44 = arith.constant dense<0> : vector<512xi32>
      %reduce_sum3A_45 = vector.multi_reduction <add>, %select_n3A, %reduce_sum3A_44 [1] : vector<512x4096xi32> to vector<512xi32>
      %broadcast_in_dim3A_46 = vector.shape_cast %reduce_sum3A_45 : vector<512xi32> to vector<512x1xi32>
      scf.yield %broadcast_in_dim3A_46 : vector<512x1xi32>
    }
    %mul3A = arith.constant 4096 : i32
    %mul3A_24 = arith.muli %arg0, %mul3A : i32
    %add3A_25 = vector.broadcast %mul3A_24 : i32 to vector<512x1xi32>
    %add3A_26 = arith.addi %cond3A_23, %add3A_25 : vector<512x1xi32>
    %swap3A = arith.constant 0 : index
    %swap3A_27 = arith.constant 0 : index
    %swap3A_28 = arith.constant 0 : index
    %swap3A_29 = vector.load %arg3[%swap3A, %swap3A_27, %swap3A_28] : memref<1x512x1xi32, #tpu.memory_space<vmem>>, vector<1x512x1xi32>
    %swap3A_30 = vector.shape_cast %swap3A_29 : vector<1x512x1xi32> to vector<512x1xi32>
    %swap3A_31 = vector.shape_cast %add3A_26 : vector<512x1xi32> to vector<1x512x1xi32>
    tpu.vector_store %arg3[%swap3A, %swap3A_27, %swap3A_28], %swap3A_31 {strides = array<i32>} : memref<1x512x1xi32, #tpu.memory_space<vmem>>, vector<1x512x1xi32>,
    return
  }
  func.func @transform_0(%arg0: i32) -> (i32, i32, i32) {
    %c0_i32 = arith.constant 0 : i32
    %c0_i32_0 = arith.constant 0 : i32
    %c0_i32_1 = arith.constant 0 : i32
    return %arg0, %c0_i32, %c0_i32_0 : i32, i32, i32
  }
  func.func @transform_1(%arg0: i32) -> (i32, i32, i32) {
    %c0_i32 = arith.constant 0 : i32
    %c0_i32_0 = arith.constant 0 : i32
    %c0_i32_1 = arith.constant 0 : i32
    return %arg0, %c0_i32, %c0_i32_0 : i32, i32, i32
  }
  func.func @transform_2(%arg0: i32) -> (i32, i32, i32) {
    %c0_i32 = arith.constant 0 : i32
    %c0_i32_0 = arith.constant 0 : i32
    %c0_i32_1 = arith.constant 0 : i32
    return %arg0, %c0_i32, %c0_i32_0 : i32, i32, i32
  }
}

</mosaic_0001>

<sc_bundles>
// kernel: kernel.4.cloned.1.call-start
scs
__scs_entry_jumppad:
0x0: {  	(pc) =	sbr.rel $0x88, $3  }
0x1: {  	(tag) =	ssettag $0x0;
	lr =	simm.s32 $0x1  }
0x2: {  	[smem:$0x3F9C] =	sst lr;
	_ =	strace $0xD0000000  }
0x3: {  	_ = 	snop  }
0x4: {  	_ = 	snop  }
0x5: {  	_ = 	snop  }
0x6: {  	_ = 	snop  }
0x7: {  	_ = 	snop  }
__scs_overlays_trampoline_lowered:
0x8: {  	[smem:$0x3FAB] =	sst s0  }
0x9: {  	[smem:$0x3FAC] =	sst s1  }
0xa: {  	[smem:$0x3FAD] =	sst s2  }
0xb: {  	[smem:$0x3FAE] =	sst s3  }
0xc: {  	[smem:$0x3FAF] =	sst s4  }
0xd: {  	[smem:$0x3FB0] =	sst s5  }
0xe: {  	[smem:$0x3FB1] =	sst s6  }
0xf: {  	[smem:$0x3FB2] =	sst s7  }
0x10: {  	[smem:$0x3FB3] =	sst s8  }
0x11: {  	[smem:$0x3FB4] =	sst s9;
	s0 =	simm.s32 @!p0 $0x0  }
0x12: {  	s1 =	sld [smem:$0x3F9A];
	s0 =	simm.s32 @p0 $0x1  }
0x13: {  	[smem:$0x3FB5] =	sst s0;
	s0 =	simm.s32 @!p1 $0x0  }
0x14: {  	s2 =	sld [smem:$0x3F99];
	s0 =	simm.s32 @p1 $0x1  }
0x15: {  	[smem:$0x3FB6] =	sst s0;
	s0 =	simm.s32 @!p2 $0x0  }
0x16: {  	s3 =	sld [smem:$0x3FDB];
	s0 =	simm.s32 @p2 $0x1  }
0x17: {  	s4 =	simm.s32 $0x1BF5;
	[smem:$0x3FB8] =	sst s0  }
0x18: {  	s0 =	sld [smem:$0x3F9B];
	_ =	swait.ge [sflag:s4], $0x0  }
0x19: {  	s7 =	sld [smem:$0x3F9C]  }
0x1a: {  	s8 =	sadd.s32 $0xFFFFE003, lr  }
0x1b: {  	s9 =	sadd.s32 $0xFFFFFEF7, lr;
	s5 =	simm.s32 $0xFFFFFFFF;
	p2 =	slt.u32 s8, $0xFFFFF086  }
0x1c: {  	p1 =	slt.u32 s9, $0xF7A;
	s5 =	simm.s32 @!p2 $0x0  }
0x1d: {  	s5 =	simm.s32 @p1 $0x1;
	p0 =	seq.s32 s7, s2  }
0x1e: {  	s7 =	smul.u32 @!p0 $0xF7A, s2;
	p2 =	seq.s32 @!p0 s5, $0x0  }
0x1f: {  	s9 =	smul.u32 $0xF7A, s1;
	s8 =	simm.s32 @!p0 $0x1BF5;
	p2 =	por !p2, p0  }
0x20: {  	[sflag:s8] =	ssyncset.s32 @!p0 $0xFFFFF086;
	s6 =	sadd.s32 @!p0 s3, s7;
	s7 =	simm.s32 @!p0 $0x108  }
0x21: {  	s3 =	sadd.s32 s3, s9;
	s6 =	sadd.s32 @!p0 $0x88, s6;
	s7 =	simm.s32 @p2 $0x1082  }
0x22: {  	[simem:s7], [sflag:s8] =	dma.local @!p0 [hbm:s6], $0xF7A  }
0x23: {  	s9 =	sor.u32 $0xD0000000, s2;
	s6 =	simm.s32 $0x108;
	_ =	swait.ge @!p0 [sflag:s8], $0x0  }
0x24: {  	s3 =	sadd.s32 $0x88, s3;
	s6 =	simm.s32 @!p1 $0x1082;
	[sflag:s4] =	ssyncset.s32 $0xFFFFF086  }
0x25: {  	[simem:s6], [sflag:s4] =	dma.local [hbm:s3], $0xF7A  }
0x26: {  	[smem:$0x3F9C] =	sst s1;
	(tag) =	ssettag s2;
	_ =	strace s9  }
0x27: {  	s1 =	sld [smem:$0x3FAC]  }
0x28: {  	s2 =	sld [smem:$0x3FAD]  }
0x29: {  	s4 =	sld [smem:$0x3FAF]  }
0x2a: {  	p0 =	seq.s32 s5, $0x0;
	s5 =	sld [smem:$0x3FB0]  }
0x2b: {  	s6 =	sld [smem:$0x3FB1]  }
0x2c: {  	s7 =	sld [smem:$0x3FB2]  }
0x2d: {  	s3 =	simm.s32 $0x108;
	s8 =	sld [smem:$0x3FB3]  }
0x2e: {  	s3 =	simm.s32 @!p0 $0x1082;
	s9 =	sld [smem:$0x3FB4]  }
0x2f: {  	lr =	sadd.s32 s0, s3;
	s0 =	sld [smem:$0x3FAB]  }
0x30: {  	s3 =	sld [smem:$0x3FAE]  }
0x31: {  	[smem:$0x3FB7] =	sst s10  }
0x32: {  	s10 =	sld [smem:$0x3FB5];
	_ =	sdelay $0x3  }
0x33: {  	p0 =	seq.s32 s10, $0x1;
	s10 =	sld [smem:$0x3FB7];
	_ =	sdelay $0x3  }
0x34: {  	[smem:$0x3FB7] =	sst s10  }
0x35: {  	s10 =	sld [smem:$0x3FB6];
	_ =	sdelay $0x3  }
0x36: {  	p1 =	seq.s32 s10, $0x1;
	s10 =	sld [smem:$0x3FB7];
	_ =	sdelay $0x3  }
0x37: {  	[smem:$0x3FB7] =	sst s10  }
0x38: {  	s10 =	sld [smem:$0x3FB8]  }
0x39: {  	_ = 	snop;
	(pc) =	sbr.ind lr, $3  }
0x3a: {  	_ = 	snop  }
0x3b: {  	_ = 	snop  }
0x3c: {  	p2 =	seq.s32 s10, $0x1;
	s10 =	sld [smem:$0x3FB7]  }
0x3d: {  	_ =	shalt  }
0x3e: {  	_ =	shalt  }
0x3f: {  	_ =	shalt  }
0x40: {  	_ =	shalt  }
0x41: {  	_ =	shalt  }
0x42: {  	_ =	shalt  }
0x43: {  	_ =	shalt  }
0x44: {  	_ =	shalt  }
0x45: {  	_ =	shalt  }
0x46: {  	_ =	shalt  }
0x47: {  	_ =	shalt  }
0x48: {  	_ =	shalt  }
0x49: {  	_ =	shalt  }
0x4a: {  	_ =	shalt  }
0x4b: {  	_ =	shalt  }
0x4c: {  	_ =	shalt  }
0x4d: {  	_ =	shalt  }
0x4e: {  	_ =	shalt  }
0x4f: {  	_ =	shalt  }
0x50: {  	_ =	shalt  }
0x51: {  	_ =	shalt  }
0x52: {  	_ =	shalt  }
0x53: {  	_ =	shalt  }
0x54: {  	_ =	shalt  }
0x55: {  	_ =	shalt  }
0x56: {  	_ =	shalt  }
0x57: {  	_ =	shalt  }
0x58: {  	_ =	shalt  }
0x59: {  	_ =	shalt  }
0x5a: {  	_ =	shalt  }
0x5b: {  	_ =	shalt  }
0x5c: {  	_ =	shalt  }
0x5d: {  	_ =	shalt  }
0x5e: {  	_ =	shalt  }
0x5f: {  	_ =	shalt  }
0x60: {  	_ =	shalt  }
0x61: {  	_ =	shalt  }
0x62: {  	_ =	shalt  }
0x63: {  	_ =	shalt  }
0x64: {  	_ =	shalt  }
0x65: {  	_ =	shalt  }
0x66: {  	_ =	shalt  }
0x67: {  	_ =	shalt  }
0x68: {  	_ =	shalt  }
0x69: {  	_ =	shalt  }
0x6a: {  	_ =	shalt  }
0x6b: {  	_ =	shalt  }
0x6c: {  	_ =	shalt  }
0x6d: {  	_ =	shalt  }
0x6e: {  	_ =	shalt  }
0x6f: {  	_ =	shalt  }
0x70: {  	_ =	shalt  }
0x71: {  	_ =	shalt  }
0x72: {  	_ =	shalt  }
0x73: {  	_ =	shalt  }
0x74: {  	_ =	shalt  }
0x75: {  	_ =	shalt  }
0x76: {  	_ =	shalt  }
0x77: {  	_ =	shalt  }
0x78: {  	_ =	shalt  }
0x79: {  	_ =	shalt  }
0x7a: {  	_ =	shalt  }
0x7b: {  	_ =	shalt  }
0x7c: {  	_ =	shalt  }
0x7d: {  	_ =	shalt  }
0x7e: {  	_ =	shalt  }
0x7f: {  	_ =	shalt  }
0x80: {  	_ =	shalt  }
0x81: {  	_ =	shalt  }
0x82: {  	_ =	shalt  }
0x83: {  	_ =	shalt  }
0x84: {  	_ =	shalt  }
0x85: {  	_ =	shalt  }
0x86: {  	_ =	shalt  }
0x87: {  	_ =	shalt  }
.Lfunc_end0:
.L_simem_size_0:
called_computation_lowered:
.L_overlay_start_0:
0x88: {  	s2 =	sld [smem:$0x3FD9]  }
0x89: {  	s3 =	sld [smem:$0x3FFE];
	_ =	sdelay $0x1  }
0x8a: {  	s1 =	srdreg.scid  }
0x8b: {  	s0 =	sand.u32 $0x1, s1  }
0x8c: {  	s17 =	sshll.u32 s0, $0xA;
	s2 =	sadd.s32 s3, s2  }
0x8d: {  	s2 =	sadd.s32 s2, s17  }
0x8e: {  	[smem:$0x3FC3] =	sst s2  }
0x8f: {  	_ = 	snop  }
0x90: {  	s2 =	sld [smem:$0x3FC9]  }
0x91: {  	s18 =	sld [smem:$0x3FD0];
	(tm) =	ssettm $0x1  }
0x92: {  	s4 =	sld [smem:$0x3FFB];
	_ =	sdelay $0x3  }
0x93: {  	_ =	strace s4  }
0x94: {  	s4 =	sld [smem:$0x3FFC];
	_ =	sdelay $0x3  }
0x95: {  	_ =	strace s4  }
0x96: {  	s4 =	sld [smem:$0x3FFD];
	_ =	sdelay $0x3  }
0x97: {  	_ =	strace s4  }
0x98: {  	_ =	strace $0x8FFFFFFF  }
0x99: {  	s19 =	sld [smem:$0x3FDB];
	_ =	sdelay $0x1  }
0x9a: {  	s5 =	simm.s32 $_scs_section_size  }
0x9b: {  	s6 =	simm.s32 $_size__tile_overlayer_lowered;
	s7 =	simm.s32 $_tile_overlayer_lowered  }
0x9c: {  	s22 =	simm.s32 $0x1BFF;
	s21 =	sshll.u32 s7, $0x1;
	s4 =	sadd.s32 s5, s19  }
0x9d: {  	s8 =	simm.s32 $0x0;
	s20 =	sshll.u32 s6, $0x1;
	s6 =	sadd.s32 s21, s4  }
0x9e: {  	[timem:s8], [sflag:s22] =	dma.local [hbm:s6], s20  }
0x9f: {  	_ =	swait.ge [sflag:s22], s20  }
0xa0: {  	s5 =	ssub.s32 $0x0, s20;
	[sflag:s22] =	ssyncset.done $0x0  }
0xa1: {  	[sflag:s22] =	ssyncadd.s32 s5;
	_ =	sdelay $0x1  }
0xa2: {  	s23 =	simm.s32 $0x1B8B  }
0xa3: {  	_ =	swait.ge [sflag:s23], $0x1  }
0xa4: {  	[sflag:s23] =	ssyncset.done $0x0  }
0xa5: {  	s25 =	simm.s32 $0x1B8E;
	s24 =	sld [smem:$0x3FFE];
	[sflag:s23] =	ssyncadd.s32 $0xFFFFFFFF  }
0xa6: {  	s26 =	simm.s32 $execute0_lowered;
	[smem:$0x3FD2] =	sst s25  }
0xa7: {  	s6 =	sshll.u32 s26, $0x1;
	_ =	strace $0x80000046;
	[dreg:$0x1] =	wrdreg $0xFFFFFFFF  }
0xa8: {  	s28 =	simm.s32 $_size_execute0_lowered;
	s4 =	sadd.s32 s4, s6;
	[dreg:$0x0] =	wrdreg $0x0  }
0xa9: {  	s6 =	sshll.u32 s28, $0x1;
	[dreg:$0x2] =	wrdreg s4  }
0xaa: {  	[dreg:$0x3] =	wrdreg s6  }
0xab: {  	[dreg:$0x4] =	wrdreg $0xC0  }
0xac: {  	_ =	task [dreg:s8], $0x5FFFF  }
0xad: {  	[dreg:$0x1] =	wrdreg $0xFFFFFFFF  }
0xae: {  	[dreg:$0x0] =	wrdreg $0x60  }
0xaf: {  	[dreg:$0x2] =	wrdreg s2  }
0xb0: {  	[dreg:$0x3] =	wrdreg s24  }
0xb1: {  	[dreg:$0x4] =	wrdreg s18  }
0xb2: {  	[dreg:$0x5] =	wrdreg $0x9  }
0xb3: {  	_ =	task.clear_ibuf [dreg:s8], $0x6FFFF;
	_ =	strace $0x90000046  }
0xb4: {  	s29 =	simm.s32 $0x9;
	_ =	strace $0x80000048  }
0xb5: {  	_ =	swait.ge [sflag:s29], $0x1  }
0xb6: {  	[sflag:s29] =	ssyncadd.s32 $0xFFFFFFFF  }
0xb7: {  	_ =	strace $0x90000048  }
0xb8: {  	_ =	sfence  }
0xb9: {  	s30 =	sld [smem:$0x0];
	_ =	sdelay $0x2  }
0xba: {  	s31 =	sshll.u32 s1, $0xD;
	s1 =	sshrl.u32 s1, $0x2  }
0xbb: {  	s3 =	sand.u32 $0x4000, s31;
	s1 =	sadd.s32 s1, s30  }
0xbc: {  	s0 =	sor.u32 s3, s0;
	s1 =	sshll.u32 s1, $0x11  }
0xbd: {  	s0 =	sor.u32 s1, s0  }
0xbe: {  	s0 =	sadd.s32 $0x8F2B, s0  }
0xbf: {  	[sflag:s0] =	ssyncadd.remote.s32 $0x1  }
0xc0: {  	_ =	sfence.sel $0xFFFF  }
0xc1: {  	[dreg:$0x0] =	wrdreg $0xFFFFFFFF;
	(pc) =	sbr.abs _section_cstart, $3  }
0xc2: {  	[dreg:$0x1] =	wrdreg $0xFFFFFFFF  }
0xc3: {  	_ =	task.clear_ibuf [dreg:s8], $0x2FFFF;
	_ =	strace $0x9FFFFFFF  }
0xc4: {  	(tm) =	ssettm $0x7FFFFFFF  }
0xc5: {  	_ =	shalt  }
tec
execute0_lowered:
.L_overlay_start_1:
0x0: {  	(tag) =	ssettag $0x1  }
0x1: {  	s14 =	rddreg [dreg:$0x0]  }
0x2: {  	s0 =	rddreg [dreg:$0x1]  }
0x3: {  	s2 =	rddreg [dreg:$0x2]  }
0x4: {  	s3 =	srdreg.scid;
	s5 =	stileid.u32;
	s13 =	simm.s32 $0x3  }
0x5: {  	s28 =	simm.s32 $0x1;
	s29 =	simm.s32 $0x2;
	s31 =	simm.s32 $0x80  }
0x6: {  	s15 =	simm.s32 $0x1880;
	s16 =	simm.s32 $0x2080;
	s17 =	simm.s32 $0x2880  }
0x7: {  	s18 =	simm.s32 $0x3080;
	s19 =	simm.s32 $0x3880;
	s20 =	simm.s32 $0x4080  }
0x8: {  	s21 =	simm.s32 $0x5080;
	s22 =	simm.s32 $0x5880;
	s23 =	simm.s32 $0x6080  }
0x9: {  	s1 =	simm.s32 $0x8080;
	s4 =	sand.u32 $0x1, s3;
	s3 =	simm.s32 $0x0  }
0xa: {  	s5 =	sshll.u32 s5, $0x7;
	s8 =	sadd.s32 $0x400, s14;
	s9 =	sadd.s32 $0x500, s14  }
0xb: {  	s10 =	sadd.s32 $0x600, s14;
	s11 =	sadd.s32 $0x700, s14;
	s6 =	sshll.u32 s4, $0x6  }
0xc: {  	[smem:$0x7FF] =	sst s3;
	s4 =	ssub.s32 $0x2, s4;
	s5 =	sor.u32 s6, s5  }
0xd: {  	_ =	strace $0x80000047;
	s24 =	sshrl.u32 s4, $0x1;
	s6 =	sadd.s32 $0x200, s14  }
0xe: {  	s7 =	sshrl.u32 s5, $0x3;
	s12 =	ssub.s32 s4, s24;
	s5 =	sshll.u32 s5, $0x8  }
0xf: {  	s4 =	sadd.s32 $0x100, s14;
	s24 =	simm.s32 $0x6880;
	s0 =	sadd.s32 s0, s7  }
0x10: {  	s2 =	sadd.s32 s2, s5;
	s7 =	sadd.s32 $0x300, s14;
	[dreg:$0x4] =	wrdreg s0  }
0x11: {  	s12 =	smax.u32 s12, $0x1;
	s25 =	sadd.s32 $0x1000, s2;
	[dreg:$0x8] =	wrdreg s2  }
0x12: {  	v2 =	vlaneseq.u32;
	s5 =	simm.s32 $0x4880;
	s26 =	sadd.s32 $0x2000, s2;
	[dreg:$0x5] =	wrdreg s25  }
0x13: {  	vm0 =	vmmov $0xffff;
	v1 =	vshrl.u32 v2, $0x3;
	s30 =	sadd.s32 $0x3000, s2;
	s2 =	simm.s32 $0x1080;
	[dreg:$0x6] =	wrdreg s26  }
0x14: {  	v0 =	vand.u32 $0x7, v2;
	v2 =	vor.u32 $0x8, v2;
	v1 =	vmul.u32 $0x8, v1;
	[dreg:$0x7] =	wrdreg s30;
	s25 =	simm.s32 $0x7080;
	s26 =	simm.s32 $0x7880  }
.LBB2_1:
0x15: {  	s30 =	rddreg [dreg:$0x4]  }
0x16: {  	[tilespmem:s3], [sflag:$0x3] =	stream.linear.gather [hbm4b:s30+s3], $0x40, $0x38;
	[tilespmem:$0x10080] =	vst v63  }
0x17: {  	_ =	swait.ge [sflag:s13], $0x40  }
0x18: {  	[sflag:s13] =	ssyncset.done $0x0  }
0x19: {  	[sflag:s13] =	ssyncadd.s32 $0xFFFFFFC0  }
0x1a: {  	v3 =	vld [tilespmem:$0x0];
	_ =	sdelay $0x4  }
0x1b: {  	v4 =	vshll.u32 v3, $0x4  }
0x1c: {  	v3 =	vand.u32 $0x7, v3;
	v4 =	vand.u32 $0xFFFFFF80, v4  }
0x1d: {  	v3 =	vor.u32 v3, v4  }
0x1e: {  	v4 =	vperm.xlane v3, v0;
	_ =	sdelay $0x1  }
0x1f: {  	v4 =	vadd.s32 v1, v4;
	_ =	sdelay $0x4  }
0x20: {  	[tilespmem:s31], [sflag:$0x1] =	stream.indirect_vreg.gather [hbm4b:s14+s3], $0x80, v4, vm0, $0xb8;
	[tilespmem:$0x10080] =	vst v63  }
0x21: {  	s0 =	simm.s32 $0x880  }
0x22: {  	[tilespmem:s0], [sflag:$0x1] =	stream.indirect_vreg.gather [hbm4b:s4+s3], $0x80, v4, vm0, $0xb8;
	[tilespmem:$0x10080] =	vst v63  }
0x23: {  	_ = 	snop  }
0x24: {  	[tilespmem:s2], [sflag:$0x1] =	stream.indirect_vreg.gather [hbm4b:s6+s3], $0x80, v4, vm0, $0xb8;
	[tilespmem:$0x10080] =	vst v63  }
0x25: {  	_ = 	snop  }
0x26: {  	[tilespmem:s15], [sflag:$0x1] =	stream.indirect_vreg.gather [hbm4b:s7+s3], $0x80, v4, vm0, $0xb8;
	[tilespmem:$0x10080] =	vst v63  }
0x27: {  	_ = 	snop  }
0x28: {  	[tilespmem:s16], [sflag:$0x1] =	stream.indirect_vreg.gather [hbm4b:s8+s3], $0x80, v4, vm0, $0xb8;
	[tilespmem:$0x10080] =	vst v63  }
0x29: {  	v3 =	vperm.xlane v3, v2  }
0x2a: {  	[tilespmem:s17], [sflag:$0x1] =	stream.indirect_vreg.gather [hbm4b:s9+s3], $0x80, v4, vm0, $0xb8;
	[tilespmem:$0x10080] =	vst v63  }
0x2b: {  	v3 =	vadd.s32 v1, v3  }
0x2c: {  	[tilespmem:s18], [sflag:$0x1] =	stream.indirect_vreg.gather [hbm4b:s10+s3], $0x80, v4, vm0, $0xb8;
	[tilespmem:$0x10080] =	vst v63  }
0x2d: {  	_ = 	snop  }
0x2e: {  	[tilespmem:s19], [sflag:$0x1] =	stream.indirect_vreg.gather [hbm4b:s11+s3], $0x80, v4, vm0, $0xb8;
	[tilespmem:$0x10080] =	vst v63  }
0x2f: {  	_ = 	snop  }
0x30: {  	[tilespmem:s20], [sflag:$0x1] =	stream.indirect_vreg.gather [hbm4b:s14+s3], $0x80, v3, vm0, $0xb8;
	[tilespmem:$0x10080] =	vst v63  }
0x31: {  	_ = 	snop  }
0x32: {  	[tilespmem:s5], [sflag:$0x1] =	stream.indirect_vreg.gather [hbm4b:s4+s3], $0x80, v3, vm0, $0xb8;
	[tilespmem:$0x10080] =	vst v63  }
0x33: {  	_ = 	snop  }
0x34: {  	[tilespmem:s21], [sflag:$0x1] =	stream.indirect_vreg.gather [hbm4b:s6+s3], $0x80, v3, vm0, $0xb8;
	[tilespmem:$0x10080] =	vst v63  }
0x35: {  	_ = 	snop  }
0x36: {  	[tilespmem:s22], [sflag:$0x1] =	stream.indirect_vreg.gather [hbm4b:s7+s3], $0x80, v3, vm0, $0xb8;
	[tilespmem:$0x10080] =	vst v63  }
0x37: {  	_ = 	snop  }
0x38: {  	[tilespmem:s23], [sflag:$0x1] =	stream.indirect_vreg.gather [hbm4b:s8+s3], $0x80, v3, vm0, $0xb8;
	[tilespmem:$0x10080] =	vst v63  }
0x39: {  	_ = 	snop  }
0x3a: {  	[tilespmem:s24], [sflag:$0x1] =	stream.indirect_vreg.gather [hbm4b:s9+s3], $0x80, v3, vm0, $0xb8;
	[tilespmem:$0x10080] =	vst v63  }
0x3b: {  	_ = 	snop  }
0x3c: {  	[tilespmem:s25], [sflag:$0x1] =	stream.indirect_vreg.gather [hbm4b:s10+s3], $0x80, v3, vm0, $0xb8;
	[tilespmem:$0x10080] =	vst v63  }
0x3d: {  	_ = 	snop  }
0x3e: {  	[tilespmem:s26], [sflag:$0x1] =	stream.indirect_vreg.gather [hbm4b:s11+s3], $0x80, v3, vm0, $0xb8;
	[tilespmem:$0x10080] =	vst v63  }
0x3f: {  	v3 =	vld [tilespmem:$0x10];
	_ =	sdelay $0x4  }
0x40: {  	v61 =	vshll.u32 v3, $0x4  }
0x41: {  	v3 =	vand.u32 $0x7, v3;
	v4 =	vand.u32 $0xFFFFFF80, v61  }
0x42: {  	v3 =	vor.u32 v3, v4  }
0x43: {  	v4 =	vperm.xlane v3, v0;
	_ =	sdelay $0x1  }
0x44: {  	v4 =	vadd.s32 v1, v4;
	_ =	sdelay $0x4  }
0x45: {  	[tilespmem:s1], [sflag:$0x2] =	stream.indirect_vreg.gather [hbm4b:s14+s3], $0x80, v4, vm0, $0xb8;
	[tilespmem:$0x10080] =	vst v63  }
0x46: {  	s30 =	simm.s32 $0x8880  }
0x47: {  	[tilespmem:s30], [sflag:$0x2] =	stream.indirect_vreg.gather [hbm4b:s4+s3], $0x80, v4, vm0, $0xb8;
	[tilespmem:$0x10080] =	vst v63  }
0x48: {  	s30 =	simm.s32 $0x9080  }
0x49: {  	[tilespmem:s30], [sflag:$0x2] =	stream.indirect_vreg.gather [hbm4b:s6+s3], $0x80, v4, vm0, $0xb8;
	[tilespmem:$0x10080] =	vst v63  }
0x4a: {  	s30 =	simm.s32 $0x9880  }
0x4b: {  	[tilespmem:s30], [sflag:$0x2] =	stream.indirect_vreg.gather [hbm4b:s7+s3], $0x80, v4, vm0, $0xb8;
	[tilespmem:$0x10080] =	vst v63  }
0x4c: {  	s30 =	simm.s32 $0xA080  }
0x4d: {  	[tilespmem:s30], [sflag:$0x2] =	stream.indirect_vreg.gather [hbm4b:s8+s3], $0x80, v4, vm0, $0xb8;
	[tilespmem:$0x10080] =	vst v63  }
0x4e: {  	v3 =	vperm.xlane v3, v2;
	s30 =	simm.s32 $0xA880  }
0x4f: {  	[tilespmem:s30], [sflag:$0x2] =	stream.indirect_vreg.gather [hbm4b:s9+s3], $0x80, v4, vm0, $0xb8;
	[tilespmem:$0x10080] =	vst v63  }
0x50: {  	v3 =	vadd.s32 v1, v3;
	s30 =	simm.s32 $0xB080  }
0x51: {  	[tilespmem:s30], [sflag:$0x2] =	stream.indirect_vreg.gather [hbm4b:s10+s3], $0x80, v4, vm0, $0xb8;
	[tilespmem:$0x10080] =	vst v63  }
0x52: {  	s30 =	simm.s32 $0xB880  }
0x53: {  	[tilespmem:s30], [sflag:$0x2] =	stream.indirect_vreg.gather [hbm4b:s11+s3], $0x80, v4, vm0, $0xb8;
	[tilespmem:$0x10080] =	vst v63  }
0x54: {  	s30 =	simm.s32 $0xC080  }
0x55: {  	[tilespmem:s30], [sflag:$0x2] =	stream.indirect_vreg.gather [hbm4b:s14+s3], $0x80, v3, vm0, $0xb8;
	[tilespmem:$0x10080] =	vst v63  }
0x56: {  	s30 =	simm.s32 $0xC880  }
0x57: {  	[tilespmem:s30], [sflag:$0x2] =	stream.indirect_vreg.gather [hbm4b:s4+s3], $0x80, v3, vm0, $0xb8;
	[tilespmem:$0x10080] =	vst v63  }
0x58: {  	s30 =	simm.s32 $0xD080  }
0x59: {  	[tilespmem:s30], [sflag:$0x2] =	stream.indirect_vreg.gather [hbm4b:s6+s3], $0x80, v3, vm0, $0xb8;
	[tilespmem:$0x10080] =	vst v63  }
0x5a: {  	s30 =	simm.s32 $0xD880  }
0x5b: {  	[tilespmem:s30], [sflag:$0x2] =	stream.indirect_vreg.gather [hbm4b:s7+s3], $0x80, v3, vm0, $0xb8;
	[tilespmem:$0x10080] =	vst v63  }
0x5c: {  	s30 =	simm.s32 $0xE080  }
0x5d: {  	[tilespmem:s30], [sflag:$0x2] =	stream.indirect_vreg.gather [hbm4b:s8+s3], $0x80, v3, vm0, $0xb8;
	[tilespmem:$0x10080] =	vst v63  }
0x5e: {  	s30 =	simm.s32 $0xE880  }
0x5f: {  	[tilespmem:s30], [sflag:$0x2] =	stream.indirect_vreg.gather [hbm4b:s9+s3], $0x80, v3, vm0, $0xb8;
	[tilespmem:$0x10080] =	vst v63  }
0x60: {  	s30 =	simm.s32 $0xF080  }
0x61: {  	[tilespmem:s30], [sflag:$0x2] =	stream.indirect_vreg.gather [hbm4b:s10+s3], $0x80, v3, vm0, $0xb8;
	[tilespmem:$0x10080] =	vst v63  }
0x62: {  	s30 =	simm.s32 $0xF880  }
0x63: {  	[tilespmem:s30], [sflag:$0x2] =	stream.indirect_vreg.gather [hbm4b:s11+s3], $0x80, v3, vm0, $0xb8;
	[tilespmem:$0x10080] =	vst v63  }
0x64: {  	_ =	swait.ge [sflag:s28], $0x8000  }
0x65: {  	[sflag:s28] =	ssyncset.done $0x0  }
0x66: {  	s30 =	rddreg [dreg:$0x8];
	[sflag:s28] =	ssyncadd.s32 $0xFFFF8000  }
0x67: {  	[hbm4b:s30+s3] =	stream.linear.scatter [tilespmem:s31], [sflag:$0x3], $0x8000, $0x38;
	[tilespmem:$0x10080] =	vst v63  }
0x68: {  	_ =	swait.ge [sflag:s13], $0x8000  }
0x69: {  	[sflag:s13] =	ssyncset.done $0x0  }
0x6a: {  	[sflag:s13] =	ssyncadd.s32 $0xFFFF8000  }
0x6b: {  	v3 =	vld [tilespmem:$0x20];
	_ =	sdelay $0x4  }
0x6c: {  	v62 =	vshll.u32 v3, $0x4  }
0x6d: {  	v3 =	vand.u32 $0x7, v3;
	v4 =	vand.u32 $0xFFFFFF80, v62  }
0x6e: {  	v3 =	vor.u32 v3, v4  }
0x6f: {  	v4 =	vperm.xlane v3, v0;
	_ =	sdelay $0x1  }
0x70: {  	v4 =	vadd.s32 v1, v4;
	_ =	sdelay $0x4  }
0x71: {  	[tilespmem:s31], [sflag:$0x1] =	stream.indirect_vreg.gather [hbm4b:s14+s3], $0x80, v4, vm0, $0xb8;
	[tilespmem:$0x10080] =	vst v63  }
0x72: {  	_ = 	snop  }
0x73: {  	[tilespmem:s0], [sflag:$0x1] =	stream.indirect_vreg.gather [hbm4b:s4+s3], $0x80, v4, vm0, $0xb8;
	[tilespmem:$0x10080] =	vst v63  }
0x74: {  	_ = 	snop  }
0x75: {  	[tilespmem:s2], [sflag:$0x1] =	stream.indirect_vreg.gather [hbm4b:s6+s3], $0x80, v4, vm0, $0xb8;
	[tilespmem:$0x10080] =	vst v63  }
0x76: {  	_ = 	snop  }
0x77: {  	[tilespmem:s15], [sflag:$0x1] =	stream.indirect_vreg.gather [hbm4b:s7+s3], $0x80, v4, vm0, $0xb8;
	[tilespmem:$0x10080] =	vst v63  }
0x78: {  	_ = 	snop  }
0x79: {  	[tilespmem:s16], [sflag:$0x1] =	stream.indirect_vreg.gather [hbm4b:s8+s3], $0x80, v4, vm0, $0xb8;
	[tilespmem:$0x10080] =	vst v63  }
0x7a: {  	v3 =	vperm.xlane v3, v2  }
0x7b: {  	[tilespmem:s17], [sflag:$0x1] =	stream.indirect_vreg.gather [hbm4b:s9+s3], $0x80, v4, vm0, $0xb8;
	[tilespmem:$0x10080] =	vst v63  }
0x7c: {  	v3 =	vadd.s32 v1, v3  }
0x7d: {  	[tilespmem:s18], [sflag:$0x1] =	stream.indirect_vreg.gather [hbm4b:s10+s3], $0x80, v4, vm0, $0xb8;
	[tilespmem:$0x10080] =	vst v63  }
0x7e: {  	_ = 	snop  }
0x7f: {  	[tilespmem:s19], [sflag:$0x1] =	stream.indirect_vreg.gather [hbm4b:s11+s3], $0x80, v4, vm0, $0xb8;
	[tilespmem:$0x10080] =	vst v63  }
0x80: {  	_ = 	snop  }
0x81: {  	[tilespmem:s20], [sflag:$0x1] =	stream.indirect_vreg.gather [hbm4b:s14+s3], $0x80, v3, vm0, $0xb8;
	[tilespmem:$0x10080] =	vst v63  }
0x82: {  	_ = 	snop  }
0x83: {  	[tilespmem:s5], [sflag:$0x1] =	stream.indirect_vreg.gather [hbm4b:s4+s3], $0x80, v3, vm0, $0xb8;
	[tilespmem:$0x10080] =	vst v63  }
0x84: {  	_ = 	snop  }
0x85: {  	[tilespmem:s21], [sflag:$0x1] =	stream.indirect_vreg.gather [hbm4b:s6+s3], $0x80, v3, vm0, $0xb8;
	[tilespmem:$0x10080] =	vst v63  }
0x86: {  	_ = 	snop  }
0x87: {  	[tilespmem:s22], [sflag:$0x1] =	stream.indirect_vreg.gather [hbm4b:s7+s3], $0x80, v3, vm0, $0xb8;
	[tilespmem:$0x10080] =	vst v63  }
0x88: {  	_ = 	snop  }
0x89: {  	[tilespmem:s23], [sflag:$0x1] =	stream.indirect_vreg.gather [hbm4b:s8+s3], $0x80, v3, vm0, $0xb8;
	[tilespmem:$0x10080] =	vst v63  }
0x8a: {  	_ = 	snop  }
0x8b: {  	[tilespmem:s24], [sflag:$0x1] =	stream.indirect_vreg.gather [hbm4b:s9+s3], $0x80, v3, vm0, $0xb8;
	[tilespmem:$0x10080] =	vst v63  }
0x8c: {  	_ = 	snop  }
0x8d: {  	[tilespmem:s25], [sflag:$0x1] =	stream.indirect_vreg.gather [hbm4b:s10+s3], $0x80, v3, vm0, $0xb8;
	[tilespmem:$0x10080] =	vst v63  }
0x8e: {  	_ = 	snop  }
0x8f: {  	[tilespmem:s26], [sflag:$0x1] =	stream.indirect_vreg.gather [hbm4b:s11+s3], $0x80, v3, vm0, $0xb8;
	[tilespmem:$0x10080] =	vst v63  }
0x90: {  	_ =	swait.ge [sflag:s29], $0x8000  }
0x91: {  	[sflag:s29] =	ssyncset.done $0x0  }
0x92: {  	s0 =	rddreg [dreg:$0x5];
	[sflag:s29] =	ssyncadd.s32 $0xFFFF8000  }
0x93: {  	[hbm4b:s0+s3] =	stream.linear.scatter [tilespmem:s1], [sflag:$0x3], $0x8000, $0x38;
	[tilespmem:$0x10080] =	vst v63  }
0x94: {  	_ =	swait.ge [sflag:s13], $0x8000  }
0x95: {  	[sflag:s13] =	ssyncset.done $0x0  }
0x96: {  	[sflag:s13] =	ssyncadd.s32 $0xFFFF8000  }
0x97: {  	v3 =	vld [tilespmem:$0x30];
	_ =	sdelay $0x4  }
0x98: {  	v63 =	vshll.u32 v3, $0x4  }
0x99: {  	v3 =	vand.u32 $0x7, v3;
	v4 =	vand.u32 $0xFFFFFF80, v63  }
0x9a: {  	v3 =	vor.u32 v3, v4  }
0x9b: {  	v4 =	vperm.xlane v3, v0;
	_ =	sdelay $0x1  }
0x9c: {  	v4 =	vadd.s32 v1, v4;
	_ =	sdelay $0x4  }
0x9d: {  	[tilespmem:s1], [sflag:$0x2] =	stream.indirect_vreg.gather [hbm4b:s14+s3], $0x80, v4, vm0, $0xb8;
	[tilespmem:$0x10080] =	vst v63  }
0x9e: {  	s30 =	simm.s32 $0x8880  }
0x9f: {  	[tilespmem:s30], [sflag:$0x2] =	stream.indirect_vreg.gather [hbm4b:s4+s3], $0x80, v4, vm0, $0xb8;
	[tilespmem:$0x10080] =	vst v63  }
0xa0: {  	s30 =	simm.s32 $0x9080  }
0xa1: {  	[tilespmem:s30], [sflag:$0x2] =	stream.indirect_vreg.gather [hbm4b:s6+s3], $0x80, v4, vm0, $0xb8;
	[tilespmem:$0x10080] =	vst v63  }
0xa2: {  	s30 =	simm.s32 $0x9880  }
0xa3: {  	[tilespmem:s30], [sflag:$0x2] =	stream.indirect_vreg.gather [hbm4b:s7+s3], $0x80, v4, vm0, $0xb8;
	[tilespmem:$0x10080] =	vst v63  }
0xa4: {  	s30 =	simm.s32 $0xA080  }
0xa5: {  	[tilespmem:s30], [sflag:$0x2] =	stream.indirect_vreg.gather [hbm4b:s8+s3], $0x80, v4, vm0, $0xb8;
	[tilespmem:$0x10080] =	vst v63  }
0xa6: {  	v3 =	vperm.xlane v3, v2;
	s30 =	simm.s32 $0xA880  }
0xa7: {  	[tilespmem:s30], [sflag:$0x2] =	stream.indirect_vreg.gather [hbm4b:s9+s3], $0x80, v4, vm0, $0xb8;
	[tilespmem:$0x10080] =	vst v63  }
0xa8: {  	v3 =	vadd.s32 v1, v3;
	s30 =	simm.s32 $0xB080  }
0xa9: {  	[tilespmem:s30], [sflag:$0x2] =	stream.indirect_vreg.gather [hbm4b:s10+s3], $0x80, v4, vm0, $0xb8;
	[tilespmem:$0x10080] =	vst v63  }
0xaa: {  	s30 =	simm.s32 $0xB880  }
0xab: {  	[tilespmem:s30], [sflag:$0x2] =	stream.indirect_vreg.gather [hbm4b:s11+s3], $0x80, v4, vm0, $0xb8;
	[tilespmem:$0x10080] =	vst v63  }
0xac: {  	s30 =	simm.s32 $0xC080  }
0xad: {  	[tilespmem:s30], [sflag:$0x2] =	stream.indirect_vreg.gather [hbm4b:s14+s3], $0x80, v3, vm0, $0xb8;
	[tilespmem:$0x10080] =	vst v63  }
0xae: {  	s30 =	simm.s32 $0xC880  }
0xaf: {  	[tilespmem:s30], [sflag:$0x2] =	stream.indirect_vreg.gather [hbm4b:s4+s3], $0x80, v3, vm0, $0xb8;
	[tilespmem:$0x10080] =	vst v63  }
0xb0: {  	s30 =	simm.s32 $0xD080  }
0xb1: {  	[tilespmem:s30], [sflag:$0x2] =	stream.indirect_vreg.gather [hbm4b:s6+s3], $0x80, v3, vm0, $0xb8;
	[tilespmem:$0x10080] =	vst v63  }
0xb2: {  	s30 =	simm.s32 $0xD880  }
0xb3: {  	[tilespmem:s30], [sflag:$0x2] =	stream.indirect_vreg.gather [hbm4b:s7+s3], $0x80, v3, vm0, $0xb8;
	[tilespmem:$0x10080] =	vst v63  }
0xb4: {  	s30 =	simm.s32 $0xE080  }
0xb5: {  	[tilespmem:s30], [sflag:$0x2] =	stream.indirect_vreg.gather [hbm4b:s8+s3], $0x80, v3, vm0, $0xb8;
	[tilespmem:$0x10080] =	vst v63  }
0xb6: {  	s30 =	simm.s32 $0xE880  }
0xb7: {  	[tilespmem:s30], [sflag:$0x2] =	stream.indirect_vreg.gather [hbm4b:s9+s3], $0x80, v3, vm0, $0xb8;
	[tilespmem:$0x10080] =	vst v63  }
0xb8: {  	s30 =	simm.s32 $0xF080  }
0xb9: {  	[tilespmem:s30], [sflag:$0x2] =	stream.indirect_vreg.gather [hbm4b:s10+s3], $0x80, v3, vm0, $0xb8;
	[tilespmem:$0x10080] =	vst v63  }
0xba: {  	s30 =	simm.s32 $0xF880  }
0xbb: {  	[tilespmem:s30], [sflag:$0x2] =	stream.indirect_vreg.gather [hbm4b:s11+s3], $0x80, v3, vm0, $0xb8;
	[tilespmem:$0x10080] =	vst v63  }
0xbc: {  	_ =	swait.ge [sflag:s28], $0x8000  }
0xbd: {  	[sflag:s28] =	ssyncset.done $0x0  }
0xbe: {  	s0 =	rddreg [dreg:$0x6];
	[sflag:s28] =	ssyncadd.s32 $0xFFFF8000  }
0xbf: {  	[hbm4b:s0+s3] =	stream.linear.scatter [tilespmem:s31], [sflag:$0x3], $0x8000, $0x38;
	[tilespmem:$0x10080] =	vst v63  }
0xc0: {  	_ =	swait.ge [sflag:s13], $0x8000  }
0xc1: {  	[sflag:s13] =	ssyncset.done $0x0  }
0xc2: {  	[sflag:s13] =	ssyncadd.s32 $0xFFFF8000  }
0xc3: {  	_ =	swait.ge [sflag:s29], $0x8000  }
0xc4: {  	p0 =	sne.s32 s12, $0x1;
	[sflag:s29] =	ssyncset.done $0x0  }
.Ltmp0:
0xc5: {  	s0 =	rddreg [dreg:$0x7];
	[sflag:s29] =	ssyncadd.s32 $0xFFFF8000;
	(pc) =	sbr.rel @p0 .LBB2_1-.Ltmp0, $4  }
0xc6: {  	[hbm4b:s0+s3] =	stream.linear.scatter [tilespmem:s1], [sflag:$0x3], $0x8000, $0x38;
	[tilespmem:$0x10080] =	vst v63  }
0xc7: {  	_ =	swait.ge [sflag:s13], $0x8000  }
0xc8: {  	[sflag:s13] =	ssyncset.done $0x0  }
0xc9: {  	s12 =	sadd.s32 $0xFFFFFFFF, s12;
	[sflag:s13] =	ssyncadd.s32 $0xFFFF8000  }
0xca: {  	_ =	sfence.sel $0x180000  }
0xcb: {  	[bflag:$0x0] =	sbarrier.arrive $0xFFFF  }
0xcc: {  	_ =	strace $0x90000047  }
0xcd: {  	s0 =	stileid.u32;
	[bflag:$0x2] =	sbarrier.arrive $0xFFFF  }
0xce: {  	p0 =	sne.s32 s0, $0x0;
	s0 =	rddreg [dreg:$0x3]  }
0xcf: {  	s0 =	sadd.s32 @!p0 $0x100000, s0  }
0xd0: {  	[sflag:s0] =	ssyncadd.tile.s32 @!p0 $0x1;
	_ =	shalt  }
.Lfunc_end2:
_tile_overlayer_lowered:
.L_overlay_start_2:
0xd1: {  	(tag) =	ssettag $0x2  }
0xd2: {  	s0 =	rddreg [dreg:$0x0];
	s2 =	stileid.u32  }
0xd3: {  	s1 =	rddreg [dreg:$0x1];
	p0 =	sne.s32 s2, $0x0  }
0xd4: {  	s3 =	rddreg [dreg:$0x2];
	[bflag:$0x3] =	sbarrier.arrive $0xFFFF;
	s2 =	simm.s32 @!p0 $0x1C03  }
0xd5: {  	[timem:s3], [sflag:s2] =	dma.local @!p0 [hbm:s0], s1  }
0xd6: {  	s0 =	simm.s32 @!p0 $0x3  }
0xd7: {  	_ =	swait.ge @!p0 [sflag:s0], s1  }
0xd8: {  	s1 =	ssub.s32 @!p0 $0x0, s1;
	[sflag:s0] =	ssyncset.done @!p0 $0x0  }
0xd9: {  	[sflag:s0] =	ssyncadd.s32 @!p0 s1  }
0xda: {  	[bflag:$0x3] =	sbarrier.arrive $0xFFFF  }
0xdb: {  	_ =	shalt  }

</sc_bundles>
